<compile_context>
chip_gen: v7x
topology: tpu7x:2x2x1
jax: 0.10.2.dev20260603
libtpu: 0.0.44.dev20260713+nightly
codegen_flags: <defaults>
</compile_context>

<pallas_src>
import functools

import jax
import jax.numpy as jnp
from jax import lax
from jax.experimental import pallas as pl
from jax.experimental.pallas import tpu as pltpu
from jax.experimental.pallas import tpu_sc as plsc

_N_E = 8192
_E_DIM = 256
_TOKENS = 8192
_EPS = 1e-12


def _norm_body(x_ref, out_ref):
    x = x_ref[...]
    n = jnp.sqrt(jnp.sum(x * x, axis=1, keepdims=True))
    out_ref[...] = x / jnp.maximum(n, _EPS)


def _make_sc_gather():
    info = plsc.get_sparse_core_info()
    nc, ns = info.num_cores, info.num_subcores
    nw = nc * ns
    per_w = _TOKENS // nw
    chunk = 128
    nchunks = per_w // chunk
    mesh = plsc.VectorSubcoreMesh(core_axis_name="c", subcore_axis_name="s")

    @functools.partial(
        pl.kernel,
        mesh=mesh,
        out_type=jax.ShapeDtypeStruct((_TOKENS, _E_DIM), jnp.float32),
        scratch_types=[
            pltpu.VMEM((nchunks, chunk), jnp.int32),
            pltpu.VMEM((per_w, _E_DIM), jnp.float32),
            pltpu.SemaphoreType.DMA,
        ],
    )
    def gather_rows(table_hbm, idx_hbm, out_hbm, idx_v, rows_v, sem):
        wid = lax.axis_index("s") * nc + lax.axis_index("c")
        base = wid * per_w
        for j in range(nchunks):
            pltpu.sync_copy(idx_hbm.at[pl.ds(base + j * chunk, chunk)],
                            idx_v.at[j])
        copies = [
            pltpu.async_copy(table_hbm.at[idx_v.at[j]],
                             rows_v.at[pl.ds(j * chunk, chunk)], sem)
            for j in range(nchunks)
        ]
        for c in copies:
            c.wait()
        pltpu.sync_copy(rows_v, out_hbm.at[pl.ds(base, per_w)])

    return gather_rows


_sc_gather = None


def kernel(z, embedding):
    global _sc_gather
    if _sc_gather is None:
        _sc_gather = _make_sc_gather()

    zt = jnp.transpose(z, (0, 2, 3, 1)).reshape(_TOKENS, _E_DIM)

    embn = pl.pallas_call(
        _norm_body,
        out_shape=jax.ShapeDtypeStruct((_N_E, _E_DIM), jnp.float32),
    )(embedding)

    zn = zt / jnp.maximum(
        jnp.sqrt(jnp.sum(zt * zt, axis=1, keepdims=True)), _EPS)
    zf2 = jnp.sum(zn * zn, axis=1, keepdims=True)

    d = (zf2 + jnp.sum(embn ** 2, axis=1)
         - 2.0 * jnp.einsum('bd,dn->bn', zn, embn.T))
    idx = jnp.argmin(d, axis=1)

    q = _sc_gather(embn, idx)

    z_q = jnp.transpose(q.reshape(8, 32, 32, _E_DIM), (0, 3, 1, 2))
    return z_q, idx

# --- scband reference (transcript-rebuilt; emitter-appended) ---
"""Pipeline reference for scband-vqvit-model2-dplus-85873576116617 (READ-ONLY COPY).

The authoritative reference and input builder live on the scoring server;
editing this copy changes nothing except your own understanding.
"""

import jax, jax.numpy as jnp
import numpy as np

N_E = 8192
E_DIM = 256

def _l2norm(x, axis=-1, eps=1e-12):
    n = jnp.linalg.norm(x, axis=axis, keepdims=True)
    return x / jnp.maximum(n, eps)

def setup_inputs(seed: int = 0):
    key = jax.random.key(seed)
    k1, k2 = jax.random.split(key)
    z = jax.random.normal(k1, (8, 256, 32, 32), dtype=jnp.float32)
    # embedding initialized uniform(-1/n_e, 1/n_e) then l2-normalized (l2_norm=True)
    emb = jax.random.uniform(k2, (N_E, E_DIM), dtype=jnp.float32, minval=-1.0 / N_E, maxval=1.0 / N_E)
    emb = _l2norm(emb, axis=-1)
    return {"z": z, "embedding": emb}

def reference(z, embedding):
    # b c h w -> b h w c
    zt = jnp.einsum('bchw->bhwc', z)
    z_flattened = zt.reshape(-1, E_DIM)
    # l2_norm = True
    zt_n = _l2norm(zt, axis=-1)
    zf_n = _l2norm(z_flattened, axis=-1)
    emb_n = _l2norm(embedding, axis=-1)
    # squared euclidean distances
    d = (jnp.sum(zf_n ** 2, axis=1, keepdims=True)
         + jnp.sum(emb_n ** 2, axis=1)
         - 2.0 * jnp.einsum('bd,dn->bn', zf_n, emb_n.T))
    min_encoding_indices = jnp.argmin(d, axis=1)
    z_q = jnp.take(emb_n, min_encoding_indices, axis=0).reshape(zt_n.shape)
    # straight-through estimator
    z_q = zt_n + jax.lax.stop_gradient(z_q - zt_n)
    # b h w c -> b c h w
    z_q = jnp.einsum('bhwc->bchw', z_q)
    return z_q, min_encoding_indices

if __name__ == "__main__":
    import jax
    _d = setup_inputs()
    print(jax.jit(kernel)(*tuple(_d.values())))

</pallas_src>

<mosaic_0001>
#map = affine_map<(d0, d1) -> (0, 0)>
#map1 = affine_map<(d0, d1) -> (0)>
module attributes {stable_mosaic.version = 14 : i64} {
  func.func @gather_rows(%arg0: i32, %arg1: i32, %arg2: memref<8192x256xf32, #tpu.memory_space<hbm>>, %arg3: memref<8192xi32, #tpu.memory_space<hbm>>, %arg4: memref<8192x256xf32, #tpu.memory_space<hbm>>, %arg5: memref<2x128xi32, #tpu.memory_space<vmem>>, %arg6: memref<256x256xf32, #tpu.memory_space<vmem>>, %arg7: memref<!tpu.dma_semaphore, #tpu.memory_space<semaphore_mem>>) attributes {dimension_semantics = [#tpu.dimension_semantics<core_parallel>, #tpu.dimension_semantics<subcore_parallel>], iteration_bounds = array<i64: 2, 16>, scalar_prefetch = 0 : i64, scratch_operands = 3 : i64, tpu.core_type = #tpu.core_type<sc_vector_subcore>, window_params = [{transform_indices = #map}, {transform_indices = #map1}, {transform_indices = #map}]} {
    %mul3A = arith.constant 2 : i32
    %mul3A_0 = arith.muli %arg1, %mul3A : i32
    %add3A = arith.addi %mul3A_0, %arg0 : i32
    %mul3A_1 = arith.constant 256 : i32
    %mul3A_2 = arith.muli %add3A, %mul3A_1 : i32
    %add3A_3 = arith.constant 0 : i32
    %add3A_4 = arith.addi %mul3A_2, %add3A_3 : i32
    %run_scoped3A = arith.constant 0 : i32
    "tpu.region"() ({
      %run_scoped3A_46 = tpu.sem_alloc : memref<!tpu.dma_semaphore, #tpu.memory_space<semaphore_mem>>
      %dma_start3A_47 = arith.constant 0 : i32
      %dma_start3A_48 = tpu.memref_slice %arg5[%run_scoped3A, %dma_start3A_47] : memref<2x128xi32, #tpu.memory_space<vmem>> -> memref<1x128xi32, #tpu.memory_space<vmem>>
      %dma_start3A_49 = tpu.memref_squeeze %dma_start3A_48 : memref<1x128xi32, #tpu.memory_space<vmem>> -> memref<128xi32, #tpu.memory_space<vmem>>
      %dma_start3A_50 = tpu.memref_slice %arg3[%add3A_4] : memref<8192xi32, #tpu.memory_space<hbm>> -> memref<128xi32, #tpu.memory_space<hbm>>
      %dma_start3A_51 = arith.constant 0 : i32
      %dma_start3A_52 = tpu.memref_slice %arg5[%run_scoped3A, %dma_start3A_51] : memref<2x128xi32, #tpu.memory_space<vmem>> -> memref<1x128xi32, #tpu.memory_space<vmem>>
      %dma_start3A_53 = tpu.memref_squeeze %dma_start3A_52 : memref<1x128xi32, #tpu.memory_space<vmem>> -> memref<128xi32, #tpu.memory_space<vmem>>
      %dma_start3A_54 = tpu.memref_slice %arg3[%add3A_4] : memref<8192xi32, #tpu.memory_space<hbm>> -> memref<128xi32, #tpu.memory_space<hbm>>
      tpu.enqueue_dma source(%dma_start3A_54 : memref<128xi32, #tpu.memory_space<hbm>>) target(%dma_start3A_53 : memref<128xi32, #tpu.memory_space<vmem>>) target_semaphore(%run_scoped3A_46 : memref<!tpu.dma_semaphore, #tpu.memory_space<semaphore_mem>>)
      %dma_wait3A_55 = arith.constant 0 : i32
      %dma_wait3A_56 = tpu.memref_slice %arg5[%run_scoped3A, %dma_wait3A_55] : memref<2x128xi32, #tpu.memory_space<vmem>> -> memref<1x128xi32, #tpu.memory_space<vmem>>
      %dma_wait3A_57 = tpu.memref_squeeze %dma_wait3A_56 : memref<1x128xi32, #tpu.memory_space<vmem>> -> memref<128xi32, #tpu.memory_space<vmem>>
      %dma_wait3A_58 = tpu.memref_slice %arg3[%add3A_4] : memref<8192xi32, #tpu.memory_space<hbm>> -> memref<128xi32, #tpu.memory_space<hbm>>
      %dma_wait3A_59 = arith.constant 0 : i32
      %dma_wait3A_60 = tpu.memref_slice %arg5[%run_scoped3A, %dma_wait3A_59] : memref<2x128xi32, #tpu.memory_space<vmem>> -> memref<1x128xi32, #tpu.memory_space<vmem>>
      %dma_wait3A_61 = tpu.memref_squeeze %dma_wait3A_60 : memref<1x128xi32, #tpu.memory_space<vmem>> -> memref<128xi32, #tpu.memory_space<vmem>>
      %dma_wait3A_62 = tpu.memref_slice %arg3[%add3A_4] : memref<8192xi32, #tpu.memory_space<hbm>> -> memref<128xi32, #tpu.memory_space<hbm>>
      tpu.wait_dma2 semaphore(%run_scoped3A_46 : memref<!tpu.dma_semaphore, #tpu.memory_space<semaphore_mem>>) src(%dma_wait3A_62 : memref<128xi32, #tpu.memory_space<hbm>>) dst(%dma_wait3A_61 : memref<128xi32, #tpu.memory_space<vmem>>)
      tpu.yield
    }) : () -> ()
    %add3A_5 = arith.constant 128 : i32
    %add3A_6 = arith.addi %mul3A_2, %add3A_5 : i32
    %run_scoped3A_7 = arith.constant 1 : i32
    "tpu.region"() ({
      %run_scoped3A_46 = tpu.sem_alloc : memref<!tpu.dma_semaphore, #tpu.memory_space<semaphore_mem>>
      %dma_start3A_47 = arith.constant 0 : i32
      %dma_start3A_48 = tpu.memref_slice %arg5[%run_scoped3A_7, %dma_start3A_47] : memref<2x128xi32, #tpu.memory_space<vmem>> -> memref<1x128xi32, #tpu.memory_space<vmem>>
      %dma_start3A_49 = tpu.memref_squeeze %dma_start3A_48 : memref<1x128xi32, #tpu.memory_space<vmem>> -> memref<128xi32, #tpu.memory_space<vmem>>
      %dma_start3A_50 = tpu.memref_slice %arg3[%add3A_6] : memref<8192xi32, #tpu.memory_space<hbm>> -> memref<128xi32, #tpu.memory_space<hbm>>
      %dma_start3A_51 = arith.constant 0 : i32
      %dma_start3A_52 = tpu.memref_slice %arg5[%run_scoped3A_7, %dma_start3A_51] : memref<2x128xi32, #tpu.memory_space<vmem>> -> memref<1x128xi32, #tpu.memory_space<vmem>>
      %dma_start3A_53 = tpu.memref_squeeze %dma_start3A_52 : memref<1x128xi32, #tpu.memory_space<vmem>> -> memref<128xi32, #tpu.memory_space<vmem>>
      %dma_start3A_54 = tpu.memref_slice %arg3[%add3A_6] : memref<8192xi32, #tpu.memory_space<hbm>> -> memref<128xi32, #tpu.memory_space<hbm>>
      tpu.enqueue_dma source(%dma_start3A_54 : memref<128xi32, #tpu.memory_space<hbm>>) target(%dma_start3A_53 : memref<128xi32, #tpu.memory_space<vmem>>) target_semaphore(%run_scoped3A_46 : memref<!tpu.dma_semaphore, #tpu.memory_space<semaphore_mem>>)
      %dma_wait3A_55 = arith.constant 0 : i32
      %dma_wait3A_56 = tpu.memref_slice %arg5[%run_scoped3A_7, %dma_wait3A_55] : memref<2x128xi32, #tpu.memory_space<vmem>> -> memref<1x128xi32, #tpu.memory_space<vmem>>
      %dma_wait3A_57 = tpu.memref_squeeze %dma_wait3A_56 : memref<1x128xi32, #tpu.memory_space<vmem>> -> memref<128xi32, #tpu.memory_space<vmem>>
      %dma_wait3A_58 = tpu.memref_slice %arg3[%add3A_6] : memref<8192xi32, #tpu.memory_space<hbm>> -> memref<128xi32, #tpu.memory_space<hbm>>
      %dma_wait3A_59 = arith.constant 0 : i32
      %dma_wait3A_60 = tpu.memref_slice %arg5[%run_scoped3A_7, %dma_wait3A_59] : memref<2x128xi32, #tpu.memory_space<vmem>> -> memref<1x128xi32, #tpu.memory_space<vmem>>
      %dma_wait3A_61 = tpu.memref_squeeze %dma_wait3A_60 : memref<1x128xi32, #tpu.memory_space<vmem>> -> memref<128xi32, #tpu.memory_space<vmem>>
      %dma_wait3A_62 = tpu.memref_slice %arg3[%add3A_6] : memref<8192xi32, #tpu.memory_space<hbm>> -> memref<128xi32, #tpu.memory_space<hbm>>
      tpu.wait_dma2 semaphore(%run_scoped3A_46 : memref<!tpu.dma_semaphore, #tpu.memory_space<semaphore_mem>>) src(%dma_wait3A_62 : memref<128xi32, #tpu.memory_space<hbm>>) dst(%dma_wait3A_61 : memref<128xi32, #tpu.memory_space<vmem>>)
      tpu.yield
    }) : () -> ()
    %dma_start3A = arith.constant 0 : i32
    %dma_start3A_8 = arith.constant 0 : i32
    %dma_start3A_9 = arith.constant 0 : i32
    %dma_start3A_10 = tpu.memref_slice %arg6[%dma_start3A_8, %dma_start3A_9] : memref<256x256xf32, #tpu.memory_space<vmem>> -> memref<128x256xf32, #tpu.memory_space<vmem>>
    %dma_start3A_11 = arith.constant 0 : i32
    %dma_start3A_12 = tpu.memref_slice %arg5[%dma_start3A, %dma_start3A_11] : memref<2x128xi32, #tpu.memory_space<vmem>> -> memref<1x128xi32, #tpu.memory_space<vmem>>
    %dma_start3A_13 = tpu.memref_squeeze %dma_start3A_12 : memref<1x128xi32, #tpu.memory_space<vmem>> -> memref<128xi32, #tpu.memory_space<vmem>>
    %dma_start3A_14 = arith.constant 0 : i32
    %dma_start3A_15 = arith.constant 0 : i32
    %dma_start3A_16 = tpu.memref_slice %arg2[%dma_start3A_14, %dma_start3A_15] : memref<8192x256xf32, #tpu.memory_space<hbm>> -> memref<8192x256xf32, #tpu.memory_space<hbm>>
    tpu.enqueue_indirect_dma source(%dma_start3A_16 : memref<8192x256xf32, #tpu.memory_space<hbm>>) target(%dma_start3A_10 : memref<128x256xf32, #tpu.memory_space<vmem>>) offsets(%dma_start3A_13 : memref<128xi32, #tpu.memory_space<vmem>>) semaphore(%arg7 : memref<!tpu.dma_semaphore, #tpu.memory_space<semaphore_mem>>)
    %dma_start3A_17 = arith.constant 1 : i32
    %dma_start3A_18 = arith.constant 128 : i32
    %dma_start3A_19 = arith.constant 0 : i32
    %dma_start3A_20 = tpu.memref_slice %arg6[%dma_start3A_18, %dma_start3A_19] : memref<256x256xf32, #tpu.memory_space<vmem>> -> memref<128x256xf32, #tpu.memory_space<vmem>>
    %dma_start3A_21 = arith.constant 0 : i32
    %dma_start3A_22 = tpu.memref_slice %arg5[%dma_start3A_17, %dma_start3A_21] : memref<2x128xi32, #tpu.memory_space<vmem>> -> memref<1x128xi32, #tpu.memory_space<vmem>>
    %dma_start3A_23 = tpu.memref_squeeze %dma_start3A_22 : memref<1x128xi32, #tpu.memory_space<vmem>> -> memref<128xi32, #tpu.memory_space<vmem>>
    %dma_start3A_24 = arith.constant 0 : i32
    %dma_start3A_25 = arith.constant 0 : i32
    %dma_start3A_26 = tpu.memref_slice %arg2[%dma_start3A_24, %dma_start3A_25] : memref<8192x256xf32, #tpu.memory_space<hbm>> -> memref<8192x256xf32, #tpu.memory_space<hbm>>
    tpu.enqueue_indirect_dma source(%dma_start3A_26 : memref<8192x256xf32, #tpu.memory_space<hbm>>) target(%dma_start3A_20 : memref<128x256xf32, #tpu.memory_space<vmem>>) offsets(%dma_start3A_23 : memref<128xi32, #tpu.memory_space<vmem>>) semaphore(%arg7 : memref<!tpu.dma_semaphore, #tpu.memory_space<semaphore_mem>>)
    %dma_wait3A = arith.constant 0 : i32
    %dma_wait3A_27 = arith.constant 0 : i32
    %dma_wait3A_28 = arith.constant 0 : i32
    %dma_wait3A_29 = tpu.memref_slice %arg6[%dma_wait3A_27, %dma_wait3A_28] : memref<256x256xf32, #tpu.memory_space<vmem>> -> memref<128x256xf32, #tpu.memory_space<vmem>>
    %dma_wait3A_30 = arith.constant 0 : i32
    %dma_wait3A_31 = tpu.memref_slice %arg5[%dma_wait3A, %dma_wait3A_30] : memref<2x128xi32, #tpu.memory_space<vmem>> -> memref<1x128xi32, #tpu.memory_space<vmem>>
    %dma_wait3A_32 = tpu.memref_squeeze %dma_wait3A_31 : memref<1x128xi32, #tpu.memory_space<vmem>> -> memref<128xi32, #tpu.memory_space<vmem>>
    %dma_wait3A_33 = arith.constant 0 : i32
    %dma_wait3A_34 = arith.constant 0 : i32
    %dma_wait3A_35 = tpu.memref_slice %arg2[%dma_wait3A_33, %dma_wait3A_34] : memref<8192x256xf32, #tpu.memory_space<hbm>> -> memref<8192x256xf32, #tpu.memory_space<hbm>>
    tpu.wait_indirect_dma semaphore(%arg7 : memref<!tpu.dma_semaphore, #tpu.memory_space<semaphore_mem>>) src(%dma_wait3A_35 : memref<8192x256xf32, #tpu.memory_space<hbm>>) dst(%dma_wait3A_29 : memref<128x256xf32, #tpu.memory_space<vmem>>)
    %dma_wait3A_36 = arith.constant 1 : i32
    %dma_wait3A_37 = arith.constant 128 : i32
    %dma_wait3A_38 = arith.constant 0 : i32
    %dma_wait3A_39 = tpu.memref_slice %arg6[%dma_wait3A_37, %dma_wait3A_38] : memref<256x256xf32, #tpu.memory_space<vmem>> -> memref<128x256xf32, #tpu.memory_space<vmem>>
    %dma_wait3A_40 = arith.constant 0 : i32
    %dma_wait3A_41 = tpu.memref_slice %arg5[%dma_wait3A_36, %dma_wait3A_40] : memref<2x128xi32, #tpu.memory_space<vmem>> -> memref<1x128xi32, #tpu.memory_space<vmem>>
    %dma_wait3A_42 = tpu.memref_squeeze %dma_wait3A_41 : memref<1x128xi32, #tpu.memory_space<vmem>> -> memref<128xi32, #tpu.memory_space<vmem>>
    %dma_wait3A_43 = arith.constant 0 : i32
    %dma_wait3A_44 = arith.constant 0 : i32
    %dma_wait3A_45 = tpu.memref_slice %arg2[%dma_wait3A_43, %dma_wait3A_44] : memref<8192x256xf32, #tpu.memory_space<hbm>> -> memref<8192x256xf32, #tpu.memory_space<hbm>>
    tpu.wait_indirect_dma semaphore(%arg7 : memref<!tpu.dma_semaphore, #tpu.memory_space<semaphore_mem>>) src(%dma_wait3A_45 : memref<8192x256xf32, #tpu.memory_space<hbm>>) dst(%dma_wait3A_39 : memref<128x256xf32, #tpu.memory_space<vmem>>)
    "tpu.region"() ({
      %run_scoped3A_46 = tpu.sem_alloc : memref<!tpu.dma_semaphore, #tpu.memory_space<semaphore_mem>>
      %dma_start3A_47 = arith.constant 0 : i32
      %dma_start3A_48 = tpu.memref_slice %arg4[%mul3A_2, %dma_start3A_47] : memref<8192x256xf32, #tpu.memory_space<hbm>> -> memref<256x256xf32, #tpu.memory_space<hbm>>
      %dma_start3A_49 = arith.constant 0 : i32
      %dma_start3A_50 = tpu.memref_slice %arg4[%mul3A_2, %dma_start3A_49] : memref<8192x256xf32, #tpu.memory_space<hbm>> -> memref<256x256xf32, #tpu.memory_space<hbm>>
      tpu.enqueue_dma source(%arg6 : memref<256x256xf32, #tpu.memory_space<vmem>>) target(%dma_start3A_50 : memref<256x256xf32, #tpu.memory_space<hbm>>) target_semaphore(%run_scoped3A_46 : memref<!tpu.dma_semaphore, #tpu.memory_space<semaphore_mem>>)
      %dma_wait3A_51 = arith.constant 0 : i32
      %dma_wait3A_52 = tpu.memref_slice %arg4[%mul3A_2, %dma_wait3A_51] : memref<8192x256xf32, #tpu.memory_space<hbm>> -> memref<256x256xf32, #tpu.memory_space<hbm>>
      %dma_wait3A_53 = arith.constant 0 : i32
      %dma_wait3A_54 = tpu.memref_slice %arg4[%mul3A_2, %dma_wait3A_53] : memref<8192x256xf32, #tpu.memory_space<hbm>> -> memref<256x256xf32, #tpu.memory_space<hbm>>
      tpu.wait_dma2 semaphore(%run_scoped3A_46 : memref<!tpu.dma_semaphore, #tpu.memory_space<semaphore_mem>>) src(%arg6 : memref<256x256xf32, #tpu.memory_space<vmem>>) dst(%dma_wait3A_54 : memref<256x256xf32, #tpu.memory_space<hbm>>)
      tpu.yield
    }) : () -> ()
    return
  }
}

module attributes {stable_mosaic.version = 14 : i64} {
  func.func @_norm_body(%arg0: memref<8192x256xf32, #tpu.memory_space<vmem>>, %arg1: memref<8192x256xf32, #tpu.memory_space<vmem>>) attributes {dimension_semantics = [], scalar_prefetch = 0 : i64, scratch_operands = 0 : i64, tpu.core_type = #tpu.core_type<tc>} {
    %get3A = arith.constant 0 : index
    %get3A_0 = arith.constant 0 : index
    %get3A_1 = vector.load %arg0[%get3A, %get3A_0] : memref<8192x256xf32, #tpu.memory_space<vmem>>, vector<8192x256xf32>
    %mul3A = arith.mulf %get3A_1, %get3A_1 : vector<8192x256xf32>
    %reduce_sum3A = arith.constant dense<0.000000e+00> : vector<8192xf32>
    %reduce_sum3A_2 = vector.multi_reduction <add>, %mul3A, %reduce_sum3A [1] : vector<8192x256xf32> to vector<8192xf32>
    %broadcast_in_dim3A = vector.shape_cast %reduce_sum3A_2 : vector<8192xf32> to vector<8192x1xf32>
    %sqrt3A = math.sqrt %broadcast_in_dim3A : vector<8192x1xf32>
    %max3A = arith.constant 9.99999996E-13 : f32
    %max3A_3 = vector.broadcast %max3A : f32 to vector<8192x1xf32>
    %max3A_4 = arith.maximumf %sqrt3A, %max3A_3 : vector<8192x1xf32>
    %div3A = vector.broadcast %max3A_4 : vector<8192x1xf32> to vector<8192x256xf32>
    %div3A_5 = arith.divf %get3A_1, %div3A : vector<8192x256xf32>
    %swap3A = arith.constant 0 : index
    %swap3A_6 = arith.constant 0 : index
    %swap3A_7 = vector.load %arg1[%swap3A, %swap3A_6] : memref<8192x256xf32, #tpu.memory_space<vmem>>, vector<8192x256xf32>
    tpu.vector_store %arg1[%swap3A, %swap3A_6], %div3A_5 {strides = array<i32>} : memref<8192x256xf32, #tpu.memory_space<vmem>>, vector<8192x256xf32>,
    return
  }
}

</mosaic_0001>

<sc_bundles>
// kernel: kernel.4.cloned.1.call-start
scs
__scs_entry_jumppad:
0x0: {  	(pc) =	sbr.rel $0x88, $3  }
0x1: {  	(tag) =	ssettag $0x0;
	lr =	simm.s32 $0x1  }
0x2: {  	[smem:$0x3F9F] =	sst lr;
	_ =	strace $0xD0000000  }
0x3: {  	_ = 	snop  }
0x4: {  	_ = 	snop  }
0x5: {  	_ = 	snop  }
0x6: {  	_ = 	snop  }
0x7: {  	_ = 	snop  }
__scs_overlays_trampoline_lowered:
0x8: {  	[smem:$0x3FAE] =	sst s0  }
0x9: {  	[smem:$0x3FAF] =	sst s1  }
0xa: {  	[smem:$0x3FB0] =	sst s2  }
0xb: {  	[smem:$0x3FB1] =	sst s3  }
0xc: {  	[smem:$0x3FB2] =	sst s4  }
0xd: {  	[smem:$0x3FB3] =	sst s5  }
0xe: {  	[smem:$0x3FB4] =	sst s6  }
0xf: {  	[smem:$0x3FB5] =	sst s7  }
0x10: {  	[smem:$0x3FB6] =	sst s8  }
0x11: {  	[smem:$0x3FB7] =	sst s9;
	s0 =	simm.s32 @!p0 $0x0  }
0x12: {  	s1 =	sld [smem:$0x3F9D];
	s0 =	simm.s32 @p0 $0x1  }
0x13: {  	[smem:$0x3FB8] =	sst s0;
	s0 =	simm.s32 @!p1 $0x0  }
0x14: {  	s2 =	sld [smem:$0x3F9C];
	s0 =	simm.s32 @p1 $0x1  }
0x15: {  	[smem:$0x3FB9] =	sst s0;
	s0 =	simm.s32 @!p2 $0x0  }
0x16: {  	s3 =	sld [smem:$0x3FDB];
	s0 =	simm.s32 @p2 $0x1  }
0x17: {  	s4 =	simm.s32 $0x1BF5;
	[smem:$0x3FBB] =	sst s0  }
0x18: {  	s0 =	sld [smem:$0x3F9E];
	_ =	swait.ge [sflag:s4], $0x0  }
0x19: {  	s7 =	sld [smem:$0x3F9F]  }
0x1a: {  	s8 =	sadd.s32 $0xFFFFE003, lr  }
0x1b: {  	s9 =	sadd.s32 $0xFFFFFEF7, lr;
	s5 =	simm.s32 $0xFFFFFFFF;
	p2 =	slt.u32 s8, $0xFFFFF086  }
0x1c: {  	p1 =	slt.u32 s9, $0xF7A;
	s5 =	simm.s32 @!p2 $0x0  }
0x1d: {  	s5 =	simm.s32 @p1 $0x1;
	p0 =	seq.s32 s7, s2  }
0x1e: {  	s7 =	smul.u32 @!p0 $0xF7A, s2;
	p2 =	seq.s32 @!p0 s5, $0x0  }
0x1f: {  	s9 =	smul.u32 $0xF7A, s1;
	s8 =	simm.s32 @!p0 $0x1BF5;
	p2 =	por !p2, p0  }
0x20: {  	[sflag:s8] =	ssyncset.s32 @!p0 $0xFFFFF086;
	s6 =	sadd.s32 @!p0 s3, s7;
	s7 =	simm.s32 @!p0 $0x108  }
0x21: {  	s3 =	sadd.s32 s3, s9;
	s6 =	sadd.s32 @!p0 $0x88, s6;
	s7 =	simm.s32 @p2 $0x1082  }
0x22: {  	[simem:s7], [sflag:s8] =	dma.local @!p0 [hbm:s6], $0xF7A  }
0x23: {  	s9 =	sor.u32 $0xD0000000, s2;
	s6 =	simm.s32 $0x108;
	_ =	swait.ge @!p0 [sflag:s8], $0x0  }
0x24: {  	s3 =	sadd.s32 $0x88, s3;
	s6 =	simm.s32 @!p1 $0x1082;
	[sflag:s4] =	ssyncset.s32 $0xFFFFF086  }
0x25: {  	[simem:s6], [sflag:s4] =	dma.local [hbm:s3], $0xF7A  }
0x26: {  	[smem:$0x3F9F] =	sst s1;
	(tag) =	ssettag s2;
	_ =	strace s9  }
0x27: {  	s1 =	sld [smem:$0x3FAF]  }
0x28: {  	s2 =	sld [smem:$0x3FB0]  }
0x29: {  	s4 =	sld [smem:$0x3FB2]  }
0x2a: {  	p0 =	seq.s32 s5, $0x0;
	s5 =	sld [smem:$0x3FB3]  }
0x2b: {  	s6 =	sld [smem:$0x3FB4]  }
0x2c: {  	s7 =	sld [smem:$0x3FB5]  }
0x2d: {  	s3 =	simm.s32 $0x108;
	s8 =	sld [smem:$0x3FB6]  }
0x2e: {  	s3 =	simm.s32 @!p0 $0x1082;
	s9 =	sld [smem:$0x3FB7]  }
0x2f: {  	lr =	sadd.s32 s0, s3;
	s0 =	sld [smem:$0x3FAE]  }
0x30: {  	s3 =	sld [smem:$0x3FB1]  }
0x31: {  	[smem:$0x3FBA] =	sst s10  }
0x32: {  	s10 =	sld [smem:$0x3FB8];
	_ =	sdelay $0x3  }
0x33: {  	p0 =	seq.s32 s10, $0x1;
	s10 =	sld [smem:$0x3FBA];
	_ =	sdelay $0x3  }
0x34: {  	[smem:$0x3FBA] =	sst s10  }
0x35: {  	s10 =	sld [smem:$0x3FB9];
	_ =	sdelay $0x3  }
0x36: {  	p1 =	seq.s32 s10, $0x1;
	s10 =	sld [smem:$0x3FBA];
	_ =	sdelay $0x3  }
0x37: {  	[smem:$0x3FBA] =	sst s10  }
0x38: {  	s10 =	sld [smem:$0x3FBB]  }
0x39: {  	_ = 	snop;
	(pc) =	sbr.ind lr, $3  }
0x3a: {  	_ = 	snop  }
0x3b: {  	_ = 	snop  }
0x3c: {  	p2 =	seq.s32 s10, $0x1;
	s10 =	sld [smem:$0x3FBA]  }
0x3d: {  	_ =	shalt  }
0x3e: {  	_ =	shalt  }
0x3f: {  	_ =	shalt  }
0x40: {  	_ =	shalt  }
0x41: {  	_ =	shalt  }
0x42: {  	_ =	shalt  }
0x43: {  	_ =	shalt  }
0x44: {  	_ =	shalt  }
0x45: {  	_ =	shalt  }
0x46: {  	_ =	shalt  }
0x47: {  	_ =	shalt  }
0x48: {  	_ =	shalt  }
0x49: {  	_ =	shalt  }
0x4a: {  	_ =	shalt  }
0x4b: {  	_ =	shalt  }
0x4c: {  	_ =	shalt  }
0x4d: {  	_ =	shalt  }
0x4e: {  	_ =	shalt  }
0x4f: {  	_ =	shalt  }
0x50: {  	_ =	shalt  }
0x51: {  	_ =	shalt  }
0x52: {  	_ =	shalt  }
0x53: {  	_ =	shalt  }
0x54: {  	_ =	shalt  }
0x55: {  	_ =	shalt  }
0x56: {  	_ =	shalt  }
0x57: {  	_ =	shalt  }
0x58: {  	_ =	shalt  }
0x59: {  	_ =	shalt  }
0x5a: {  	_ =	shalt  }
0x5b: {  	_ =	shalt  }
0x5c: {  	_ =	shalt  }
0x5d: {  	_ =	shalt  }
0x5e: {  	_ =	shalt  }
0x5f: {  	_ =	shalt  }
0x60: {  	_ =	shalt  }
0x61: {  	_ =	shalt  }
0x62: {  	_ =	shalt  }
0x63: {  	_ =	shalt  }
0x64: {  	_ =	shalt  }
0x65: {  	_ =	shalt  }
0x66: {  	_ =	shalt  }
0x67: {  	_ =	shalt  }
0x68: {  	_ =	shalt  }
0x69: {  	_ =	shalt  }
0x6a: {  	_ =	shalt  }
0x6b: {  	_ =	shalt  }
0x6c: {  	_ =	shalt  }
0x6d: {  	_ =	shalt  }
0x6e: {  	_ =	shalt  }
0x6f: {  	_ =	shalt  }
0x70: {  	_ =	shalt  }
0x71: {  	_ =	shalt  }
0x72: {  	_ =	shalt  }
0x73: {  	_ =	shalt  }
0x74: {  	_ =	shalt  }
0x75: {  	_ =	shalt  }
0x76: {  	_ =	shalt  }
0x77: {  	_ =	shalt  }
0x78: {  	_ =	shalt  }
0x79: {  	_ =	shalt  }
0x7a: {  	_ =	shalt  }
0x7b: {  	_ =	shalt  }
0x7c: {  	_ =	shalt  }
0x7d: {  	_ =	shalt  }
0x7e: {  	_ =	shalt  }
0x7f: {  	_ =	shalt  }
0x80: {  	_ =	shalt  }
0x81: {  	_ =	shalt  }
0x82: {  	_ =	shalt  }
0x83: {  	_ =	shalt  }
0x84: {  	_ =	shalt  }
0x85: {  	_ =	shalt  }
0x86: {  	_ =	shalt  }
0x87: {  	_ =	shalt  }
.Lfunc_end0:
.L_simem_size_0:
called_computation_lowered:
.L_overlay_start_0:
0x88: {  	s2 =	sld [smem:$0x3FD9]  }
0x89: {  	s3 =	sld [smem:$0x3FFE];
	_ =	sdelay $0x1  }
0x8a: {  	s1 =	srdreg.scid  }
0x8b: {  	s0 =	sand.u32 $0x1, s1  }
0x8c: {  	s14 =	sshll.u32 s0, $0xA;
	s2 =	sadd.s32 s3, s2  }
0x8d: {  	s2 =	sadd.s32 s2, s14  }
0x8e: {  	[smem:$0x3FC6] =	sst s2  }
0x8f: {  	_ = 	snop  }
0x90: {  	s2 =	sld [smem:$0x3FD0];
	_ =	sdelay $0x2  }
0x91: {  	s15 =	simm.s32 $0xA;
	s4 =	simm.s32 $0x10  }
0x92: {  	[smem:s4], [sflag:s15] =	dma.local [hbm:s2], $0x1  }
0x93: {  	_ =	swait.eq [sflag:s15], $0x1  }
0x94: {  	[sflag:s15] =	ssyncset.done $0x0  }
0x95: {  	s16 =	sld [smem:$0x10];
	[sflag:s15] =	ssyncadd.s32 $0xFFFFFFFF  }
0x96: {  	s17 =	sld [smem:$0x11];
	(tm) =	ssettm $0x1  }
0x97: {  	s18 =	sld [smem:$0x3FFB];
	_ =	sdelay $0x3  }
0x98: {  	_ =	strace s18  }
0x99: {  	s4 =	sld [smem:$0x3FFC];
	_ =	sdelay $0x3  }
0x9a: {  	_ =	strace s4  }
0x9b: {  	s4 =	sld [smem:$0x3FFD];
	_ =	sdelay $0x3  }
0x9c: {  	_ =	strace s4  }
0x9d: {  	_ =	strace $0x8FFFFFFF  }
0x9e: {  	s19 =	sld [smem:$0x3FDB];
	_ =	sdelay $0x1  }
0x9f: {  	s5 =	simm.s32 $_scs_section_size  }
0xa0: {  	s6 =	simm.s32 $_size__tile_overlayer_lowered;
	s7 =	simm.s32 $_tile_overlayer_lowered  }
0xa1: {  	s22 =	simm.s32 $0x1BFF;
	s21 =	sshll.u32 s7, $0x1;
	s4 =	sadd.s32 s5, s19  }
0xa2: {  	s8 =	simm.s32 $0x0;
	s20 =	sshll.u32 s6, $0x1;
	s6 =	sadd.s32 s21, s4  }
0xa3: {  	[timem:s8], [sflag:s22] =	dma.local [hbm:s6], s20  }
0xa4: {  	_ =	swait.ge [sflag:s22], s20  }
0xa5: {  	s5 =	ssub.s32 $0x0, s20;
	[sflag:s22] =	ssyncset.done $0x0  }
0xa6: {  	[sflag:s22] =	ssyncadd.s32 s5;
	_ =	sdelay $0x1  }
0xa7: {  	s23 =	simm.s32 $0x1B8B  }
0xa8: {  	_ =	swait.ge [sflag:s23], $0x1  }
0xa9: {  	[sflag:s23] =	ssyncset.done $0x0  }
0xaa: {  	s25 =	simm.s32 $0x1B8E;
	s24 =	sld [smem:$0x3FFE];
	[sflag:s23] =	ssyncadd.s32 $0xFFFFFFFF  }
0xab: {  	s26 =	simm.s32 $execute0_lowered;
	[smem:$0x3FD2] =	sst s25  }
0xac: {  	s6 =	sshll.u32 s26, $0x1;
	_ =	strace $0x80000046;
	[dreg:$0x1] =	wrdreg $0xFFFFFFFF  }
0xad: {  	s28 =	simm.s32 $_size_execute0_lowered;
	s4 =	sadd.s32 s4, s6;
	[dreg:$0x0] =	wrdreg $0x0  }
0xae: {  	s6 =	sshll.u32 s28, $0x1;
	[dreg:$0x2] =	wrdreg s4  }
0xaf: {  	[dreg:$0x3] =	wrdreg s6  }
0xb0: {  	[dreg:$0x4] =	wrdreg $0xC0  }
0xb1: {  	_ =	task [dreg:s8], $0x5FFFF  }
0xb2: {  	[dreg:$0x1] =	wrdreg $0xFFFFFFFF  }
0xb3: {  	[dreg:$0x0] =	wrdreg $0x60  }
0xb4: {  	[dreg:$0x2] =	wrdreg s24  }
0xb5: {  	[dreg:$0x3] =	wrdreg s17  }
0xb6: {  	[dreg:$0x4] =	wrdreg s16  }
0xb7: {  	[dreg:$0x5] =	wrdreg $0x9  }
0xb8: {  	_ =	task.clear_ibuf [dreg:s8], $0x6FFFF;
	_ =	strace $0x90000046  }
0xb9: {  	s29 =	simm.s32 $0x9;
	_ =	strace $0x80000048  }
0xba: {  	_ =	swait.ge [sflag:s29], $0x1  }
0xbb: {  	[sflag:s29] =	ssyncadd.s32 $0xFFFFFFFF  }
0xbc: {  	_ =	strace $0x90000048  }
0xbd: {  	_ =	sfence  }
0xbe: {  	s30 =	sld [smem:$0x0];
	_ =	sdelay $0x2  }
0xbf: {  	s31 =	sshll.u32 s1, $0xD;
	s1 =	sshrl.u32 s1, $0x2  }
0xc0: {  	s3 =	sand.u32 $0x4000, s31;
	s1 =	sadd.s32 s1, s30  }
0xc1: {  	s0 =	sor.u32 s3, s0;
	s1 =	sshll.u32 s1, $0x11  }
0xc2: {  	s0 =	sor.u32 s1, s0  }
0xc3: {  	s0 =	sadd.s32 $0x8F2B, s0  }
0xc4: {  	[sflag:s0] =	ssyncadd.remote.s32 $0x1  }
0xc5: {  	_ =	sfence.sel $0xFFFF  }
0xc6: {  	[dreg:$0x0] =	wrdreg $0xFFFFFFFF;
	(pc) =	sbr.abs _section_cstart, $3  }
0xc7: {  	[dreg:$0x1] =	wrdreg $0xFFFFFFFF  }
0xc8: {  	_ =	task.clear_ibuf [dreg:s8], $0x2FFFF;
	_ =	strace $0x9FFFFFFF  }
0xc9: {  	(tm) =	ssettm $0x7FFFFFFF  }
tec
execute0_lowered:
.L_overlay_start_1:
0x0: {  	(tag) =	ssettag $0x1  }
0x1: {  	s1 =	rddreg [dreg:$0x0]  }
0x2: {  	s2 =	srdreg.scid;
	s4 =	rddreg [dreg:$0x1]  }
0x3: {  	s0 =	stileid.u32;
	s6 =	rddreg [dreg:$0x2];
	s17 =	simm.s32 $0x80  }
0x4: {  	s18 =	simm.s32 $0x900;
	s19 =	simm.s32 $0x1100;
	s20 =	simm.s32 $0x1900  }
0x5: {  	s21 =	simm.s32 $0x2100;
	s22 =	simm.s32 $0x2900;
	s24 =	simm.s32 $0x3100  }
0x6: {  	s25 =	simm.s32 $0x3900;
	s26 =	simm.s32 $0x4100;
	s2 =	sand.u32 $0x1, s2  }
0x7: {  	s9 =	simm.s32 $0x5100;
	s3 =	sshll.u32 s0, $0x9;
	s5 =	sshll.u32 s2, $0x8  }
0x8: {  	s10 =	simm.s32 $0x5900;
	s5 =	sor.u32 s5, s3;
	s3 =	simm.s32 $0x0  }
0x9: {  	s11 =	simm.s32 $0x6100;
	s12 =	simm.s32 $0x6900;
	[smem:$0x7FF] =	sst s3  }
0xa: {  	s13 =	simm.s32 $0x7100;
	_ =	strace $0x80000047;
	[dreg:$0x6] =	wrdreg s17  }
0xb: {  	s14 =	simm.s32 $0x7900;
	s15 =	simm.s32 $0x8100;
	[dreg:$0x7] =	wrdreg s18  }
0xc: {  	s16 =	simm.s32 $0x8900;
	s28 =	simm.s32 $0xE100;
	[dreg:$0x8] =	wrdreg s19  }
0xd: {  	s29 =	simm.s32 $0xE900;
	s30 =	simm.s32 $0xF100;
	[dreg:$0x9] =	wrdreg s20  }
0xe: {  	s31 =	simm.s32 $0xF900;
	s2 =	ssub.s32 $0x2, s2;
	[dreg:$0xa] =	wrdreg s21  }
0xf: {  	s23 =	sshrl.u32 s2, $0x1;
	s7 =	sshrl.u32 s5, $0x3;
	[dreg:$0xb] =	wrdreg s22  }
0x10: {  	s5 =	sshll.u32 s5, $0x5;
	s2 =	ssub.s32 s2, s23;
	[dreg:$0xc] =	wrdreg s24  }
0x11: {  	s23 =	simm.s32 $0xC100;
	s4 =	sadd.s32 s4, s7;
	[dreg:$0xd] =	wrdreg s25  }
0x12: {  	s5 =	sadd.s32 s6, s5;
	s6 =	simm.s32 $0x2;
	[dreg:$0xe] =	wrdreg s26  }
0x13: {  	s17 =	simm.s32 $0x9100;
	s18 =	simm.s32 $0x9900;
	s19 =	simm.s32 $0xA100  }
0x14: {  	s20 =	simm.s32 $0xA900;
	s21 =	simm.s32 $0xB100;
	s22 =	simm.s32 $0xB900  }
0x15: {  	v2 =	vlaneseq.u32;
	s24 =	simm.s32 $0xC900;
	s25 =	simm.s32 $0xD100;
	s26 =	simm.s32 $0xD900  }
0x16: {  	vm0 =	vmmov $0xffff;
	v1 =	vshrl.u32 v2, $0x3;
	s7 =	sadd.s32 $0x10, s4;
	[dreg:$0x5] =	wrdreg s5;
	s5 =	smax.u32 s2, $0x1  }
0x17: {  	v0 =	vand.u32 $0x7, v2;
	v2 =	vor.u32 $0x8, v2;
	v1 =	vmul.u32 $0x8, v1;
	s2 =	simm.s32 $0x1;
	[dreg:$0x4] =	wrdreg s7;
	s7 =	simm.s32 $0x100  }
.LBB2_1:
0x18: {  	[tilespmem:s3], [sflag:$0x2] =	stream.linear.gather [hbm4b:s4+s3], $0x80, $0x38;
	[tilespmem:$0x10100] =	vst v63  }
0x19: {  	_ =	swait.ge [sflag:s6], $0x80  }
0x1a: {  	s0 =	rddreg [dreg:$0x4];
	[sflag:s6] =	ssyncset.done $0x0  }
0x1b: {  	s8 =	rddreg [dreg:$0x6];
	[sflag:s6] =	ssyncadd.s32 $0xFFFFFF80  }
0x1c: {  	[tilespmem:s8], [sflag:$0x2] =	stream.linear.gather [hbm4b:s0+s3], $0x80, $0x38;
	[tilespmem:$0x10100] =	vst v63  }
0x1d: {  	_ =	swait.ge [sflag:s6], $0x80  }
0x1e: {  	[sflag:s6] =	ssyncset.done $0x0  }
0x1f: {  	[sflag:s6] =	ssyncadd.s32 $0xFFFFFF80  }
0x20: {  	v3 =	vld [tilespmem:$0x0];
	_ =	sdelay $0x4  }
0x21: {  	v4 =	vshll.u32 v3, $0x1  }
0x22: {  	v3 =	vand.u32 $0x7, v3;
	v4 =	vand.u32 $0xFFFFFFF0, v4  }
0x23: {  	v3 =	vor.u32 v3, v4  }
0x24: {  	v4 =	vperm.xlane v3, v0;
	_ =	sdelay $0x1  }
0x25: {  	v3 =	vperm.xlane v3, v2;
	v4 =	vadd.s32 v1, v4;
	_ =	sdelay $0x1  }
0x26: {  	v3 =	vadd.s32 v1, v3;
	_ =	sdelay $0x2  }
0x27: {  	[tilespmem:s7], [sflag:$0x1] =	stream.indirect_vreg.gather [hbm4b:s1+s3], $0x80, v4, vm0, $0xb8;
	[tilespmem:$0x10100] =	vst v63  }
0x28: {  	s8 =	rddreg [dreg:$0x7]  }
0x29: {  	[tilespmem:s8], [sflag:$0x1] =	stream.indirect_vreg.gather [hbm4b:s1+s3], $0x80, v3, vm0, $0xb8;
	[tilespmem:$0x10100] =	vst v63  }
0x2a: {  	v3 =	vld [tilespmem:$0x10];
	_ =	sdelay $0x4  }
0x2b: {  	v49 =	vshll.u32 v3, $0x1  }
0x2c: {  	v3 =	vand.u32 $0x7, v3;
	v4 =	vand.u32 $0xFFFFFFF0, v49  }
0x2d: {  	v3 =	vor.u32 v3, v4  }
0x2e: {  	v4 =	vperm.xlane v3, v0;
	_ =	sdelay $0x1  }
0x2f: {  	v3 =	vperm.xlane v3, v2;
	v4 =	vadd.s32 v1, v4;
	_ =	sdelay $0x1  }
0x30: {  	v3 =	vadd.s32 v1, v3;
	_ =	sdelay $0x1  }
0x31: {  	s0 =	rddreg [dreg:$0x8]  }
0x32: {  	[tilespmem:s0], [sflag:$0x1] =	stream.indirect_vreg.gather [hbm4b:s1+s3], $0x80, v4, vm0, $0xb8;
	[tilespmem:$0x10100] =	vst v63  }
0x33: {  	s8 =	rddreg [dreg:$0x9]  }
0x34: {  	[tilespmem:s8], [sflag:$0x1] =	stream.indirect_vreg.gather [hbm4b:s1+s3], $0x80, v3, vm0, $0xb8;
	[tilespmem:$0x10100] =	vst v63  }
0x35: {  	v3 =	vld [tilespmem:$0x20];
	_ =	sdelay $0x4  }
0x36: {  	v50 =	vshll.u32 v3, $0x1  }
0x37: {  	v3 =	vand.u32 $0x7, v3;
	v4 =	vand.u32 $0xFFFFFFF0, v50  }
0x38: {  	v3 =	vor.u32 v3, v4  }
0x39: {  	v4 =	vperm.xlane v3, v0;
	_ =	sdelay $0x1  }
0x3a: {  	v3 =	vperm.xlane v3, v2;
	v4 =	vadd.s32 v1, v4;
	_ =	sdelay $0x1  }
0x3b: {  	v3 =	vadd.s32 v1, v3;
	_ =	sdelay $0x1  }
0x3c: {  	s0 =	rddreg [dreg:$0xa]  }
0x3d: {  	[tilespmem:s0], [sflag:$0x1] =	stream.indirect_vreg.gather [hbm4b:s1+s3], $0x80, v4, vm0, $0xb8;
	[tilespmem:$0x10100] =	vst v63  }
0x3e: {  	s8 =	rddreg [dreg:$0xb]  }
0x3f: {  	[tilespmem:s8], [sflag:$0x1] =	stream.indirect_vreg.gather [hbm4b:s1+s3], $0x80, v3, vm0, $0xb8;
	[tilespmem:$0x10100] =	vst v63  }
0x40: {  	v3 =	vld [tilespmem:$0x30];
	_ =	sdelay $0x4  }
0x41: {  	v51 =	vshll.u32 v3, $0x1  }
0x42: {  	v3 =	vand.u32 $0x7, v3;
	v4 =	vand.u32 $0xFFFFFFF0, v51  }
0x43: {  	v3 =	vor.u32 v3, v4  }
0x44: {  	v4 =	vperm.xlane v3, v0;
	_ =	sdelay $0x1  }
0x45: {  	v3 =	vperm.xlane v3, v2;
	v4 =	vadd.s32 v1, v4;
	_ =	sdelay $0x1  }
0x46: {  	v3 =	vadd.s32 v1, v3;
	_ =	sdelay $0x1  }
0x47: {  	s0 =	rddreg [dreg:$0xc]  }
0x48: {  	[tilespmem:s0], [sflag:$0x1] =	stream.indirect_vreg.gather [hbm4b:s1+s3], $0x80, v4, vm0, $0xb8;
	[tilespmem:$0x10100] =	vst v63  }
0x49: {  	s8 =	rddreg [dreg:$0xd]  }
0x4a: {  	[tilespmem:s8], [sflag:$0x1] =	stream.indirect_vreg.gather [hbm4b:s1+s3], $0x80, v3, vm0, $0xb8;
	[tilespmem:$0x10100] =	vst v63  }
0x4b: {  	v3 =	vld [tilespmem:$0x40];
	_ =	sdelay $0x4  }
0x4c: {  	v52 =	vshll.u32 v3, $0x1  }
0x4d: {  	v3 =	vand.u32 $0x7, v3;
	v4 =	vand.u32 $0xFFFFFFF0, v52  }
0x4e: {  	v3 =	vor.u32 v3, v4  }
0x4f: {  	v4 =	vperm.xlane v3, v0;
	_ =	sdelay $0x1  }
0x50: {  	v3 =	vperm.xlane v3, v2;
	v4 =	vadd.s32 v1, v4;
	_ =	sdelay $0x1  }
0x51: {  	v3 =	vadd.s32 v1, v3;
	_ =	sdelay $0x1  }
0x52: {  	s8 =	rddreg [dreg:$0xe]  }
0x53: {  	[tilespmem:s8], [sflag:$0x1] =	stream.indirect_vreg.gather [hbm4b:s1+s3], $0x80, v4, vm0, $0xb8;
	[tilespmem:$0x10100] =	vst v63  }
0x54: {  	s8 =	simm.s32 $0x4900  }
0x55: {  	[tilespmem:s8], [sflag:$0x1] =	stream.indirect_vreg.gather [hbm4b:s1+s3], $0x80, v3, vm0, $0xb8;
	[tilespmem:$0x10100] =	vst v63  }
0x56: {  	v3 =	vld [tilespmem:$0x50];
	_ =	sdelay $0x4  }
0x57: {  	v53 =	vshll.u32 v3, $0x1  }
0x58: {  	v3 =	vand.u32 $0x7, v3;
	v4 =	vand.u32 $0xFFFFFFF0, v53  }
0x59: {  	v3 =	vor.u32 v3, v4  }
0x5a: {  	v4 =	vperm.xlane v3, v0;
	_ =	sdelay $0x1  }
0x5b: {  	v3 =	vperm.xlane v3, v2;
	v4 =	vadd.s32 v1, v4;
	_ =	sdelay $0x1  }
0x5c: {  	v3 =	vadd.s32 v1, v3;
	_ =	sdelay $0x2  }
0x5d: {  	[tilespmem:s9], [sflag:$0x1] =	stream.indirect_vreg.gather [hbm4b:s1+s3], $0x80, v4, vm0, $0xb8;
	[tilespmem:$0x10100] =	vst v63  }
0x5e: {  	_ = 	snop  }
0x5f: {  	[tilespmem:s10], [sflag:$0x1] =	stream.indirect_vreg.gather [hbm4b:s1+s3], $0x80, v3, vm0, $0xb8;
	[tilespmem:$0x10100] =	vst v63  }
0x60: {  	v3 =	vld [tilespmem:$0x60];
	_ =	sdelay $0x4  }
0x61: {  	v54 =	vshll.u32 v3, $0x1  }
0x62: {  	v3 =	vand.u32 $0x7, v3;
	v4 =	vand.u32 $0xFFFFFFF0, v54  }
0x63: {  	v3 =	vor.u32 v3, v4  }
0x64: {  	v4 =	vperm.xlane v3, v0;
	_ =	sdelay $0x1  }
0x65: {  	v3 =	vperm.xlane v3, v2;
	v4 =	vadd.s32 v1, v4;
	_ =	sdelay $0x1  }
0x66: {  	v3 =	vadd.s32 v1, v3;
	_ =	sdelay $0x2  }
0x67: {  	[tilespmem:s11], [sflag:$0x1] =	stream.indirect_vreg.gather [hbm4b:s1+s3], $0x80, v4, vm0, $0xb8;
	[tilespmem:$0x10100] =	vst v63  }
0x68: {  	_ = 	snop  }
0x69: {  	[tilespmem:s12], [sflag:$0x1] =	stream.indirect_vreg.gather [hbm4b:s1+s3], $0x80, v3, vm0, $0xb8;
	[tilespmem:$0x10100] =	vst v63  }
0x6a: {  	v3 =	vld [tilespmem:$0x70];
	_ =	sdelay $0x4  }
0x6b: {  	v55 =	vshll.u32 v3, $0x1  }
0x6c: {  	v3 =	vand.u32 $0x7, v3;
	v4 =	vand.u32 $0xFFFFFFF0, v55  }
0x6d: {  	v3 =	vor.u32 v3, v4  }
0x6e: {  	v4 =	vperm.xlane v3, v0;
	_ =	sdelay $0x1  }
0x6f: {  	v3 =	vperm.xlane v3, v2;
	v4 =	vadd.s32 v1, v4;
	_ =	sdelay $0x1  }
0x70: {  	v3 =	vadd.s32 v1, v3;
	_ =	sdelay $0x2  }
0x71: {  	[tilespmem:s13], [sflag:$0x1] =	stream.indirect_vreg.gather [hbm4b:s1+s3], $0x80, v4, vm0, $0xb8;
	[tilespmem:$0x10100] =	vst v63  }
0x72: {  	_ = 	snop  }
0x73: {  	[tilespmem:s14], [sflag:$0x1] =	stream.indirect_vreg.gather [hbm4b:s1+s3], $0x80, v3, vm0, $0xb8;
	[tilespmem:$0x10100] =	vst v63  }
0x74: {  	v3 =	vld [tilespmem:$0x80];
	_ =	sdelay $0x4  }
0x75: {  	v56 =	vshll.u32 v3, $0x1  }
0x76: {  	v3 =	vand.u32 $0x7, v3;
	v4 =	vand.u32 $0xFFFFFFF0, v56  }
0x77: {  	v3 =	vor.u32 v3, v4  }
0x78: {  	v4 =	vperm.xlane v3, v0;
	_ =	sdelay $0x1  }
0x79: {  	v3 =	vperm.xlane v3, v2;
	v4 =	vadd.s32 v1, v4;
	_ =	sdelay $0x1  }
0x7a: {  	v3 =	vadd.s32 v1, v3;
	_ =	sdelay $0x2  }
0x7b: {  	[tilespmem:s15], [sflag:$0x1] =	stream.indirect_vreg.gather [hbm4b:s1+s3], $0x80, v4, vm0, $0xb8;
	[tilespmem:$0x10100] =	vst v63  }
0x7c: {  	_ = 	snop  }
0x7d: {  	[tilespmem:s16], [sflag:$0x1] =	stream.indirect_vreg.gather [hbm4b:s1+s3], $0x80, v3, vm0, $0xb8;
	[tilespmem:$0x10100] =	vst v63  }
0x7e: {  	v3 =	vld [tilespmem:$0x90];
	_ =	sdelay $0x4  }
0x7f: {  	v57 =	vshll.u32 v3, $0x1  }
0x80: {  	v3 =	vand.u32 $0x7, v3;
	v4 =	vand.u32 $0xFFFFFFF0, v57  }
0x81: {  	v3 =	vor.u32 v3, v4  }
0x82: {  	v4 =	vperm.xlane v3, v0;
	_ =	sdelay $0x1  }
0x83: {  	v3 =	vperm.xlane v3, v2;
	v4 =	vadd.s32 v1, v4;
	_ =	sdelay $0x1  }
0x84: {  	v3 =	vadd.s32 v1, v3;
	_ =	sdelay $0x2  }
0x85: {  	[tilespmem:s17], [sflag:$0x1] =	stream.indirect_vreg.gather [hbm4b:s1+s3], $0x80, v4, vm0, $0xb8;
	[tilespmem:$0x10100] =	vst v63  }
0x86: {  	_ = 	snop  }
0x87: {  	[tilespmem:s18], [sflag:$0x1] =	stream.indirect_vreg.gather [hbm4b:s1+s3], $0x80, v3, vm0, $0xb8;
	[tilespmem:$0x10100] =	vst v63  }
0x88: {  	v3 =	vld [tilespmem:$0xA0];
	_ =	sdelay $0x4  }
0x89: {  	v58 =	vshll.u32 v3, $0x1  }
0x8a: {  	v3 =	vand.u32 $0x7, v3;
	v4 =	vand.u32 $0xFFFFFFF0, v58  }
0x8b: {  	v3 =	vor.u32 v3, v4  }
0x8c: {  	v4 =	vperm.xlane v3, v0;
	_ =	sdelay $0x1  }
0x8d: {  	v3 =	vperm.xlane v3, v2;
	v4 =	vadd.s32 v1, v4;
	_ =	sdelay $0x1  }
0x8e: {  	v3 =	vadd.s32 v1, v3;
	_ =	sdelay $0x2  }
0x8f: {  	[tilespmem:s19], [sflag:$0x1] =	stream.indirect_vreg.gather [hbm4b:s1+s3], $0x80, v4, vm0, $0xb8;
	[tilespmem:$0x10100] =	vst v63  }
0x90: {  	_ = 	snop  }
0x91: {  	[tilespmem:s20], [sflag:$0x1] =	stream.indirect_vreg.gather [hbm4b:s1+s3], $0x80, v3, vm0, $0xb8;
	[tilespmem:$0x10100] =	vst v63  }
0x92: {  	v3 =	vld [tilespmem:$0xB0];
	_ =	sdelay $0x4  }
0x93: {  	v59 =	vshll.u32 v3, $0x1  }
0x94: {  	v3 =	vand.u32 $0x7, v3;
	v4 =	vand.u32 $0xFFFFFFF0, v59  }
0x95: {  	v3 =	vor.u32 v3, v4  }
0x96: {  	v4 =	vperm.xlane v3, v0;
	_ =	sdelay $0x1  }
0x97: {  	v3 =	vperm.xlane v3, v2;
	v4 =	vadd.s32 v1, v4;
	_ =	sdelay $0x1  }
0x98: {  	v3 =	vadd.s32 v1, v3;
	_ =	sdelay $0x2  }
0x99: {  	[tilespmem:s21], [sflag:$0x1] =	stream.indirect_vreg.gather [hbm4b:s1+s3], $0x80, v4, vm0, $0xb8;
	[tilespmem:$0x10100] =	vst v63  }
0x9a: {  	_ = 	snop  }
0x9b: {  	[tilespmem:s22], [sflag:$0x1] =	stream.indirect_vreg.gather [hbm4b:s1+s3], $0x80, v3, vm0, $0xb8;
	[tilespmem:$0x10100] =	vst v63  }
0x9c: {  	v3 =	vld [tilespmem:$0xC0];
	_ =	sdelay $0x4  }
0x9d: {  	v60 =	vshll.u32 v3, $0x1  }
0x9e: {  	v3 =	vand.u32 $0x7, v3;
	v4 =	vand.u32 $0xFFFFFFF0, v60  }
0x9f: {  	v3 =	vor.u32 v3, v4  }
0xa0: {  	v4 =	vperm.xlane v3, v0;
	_ =	sdelay $0x1  }
0xa1: {  	v3 =	vperm.xlane v3, v2;
	v4 =	vadd.s32 v1, v4;
	_ =	sdelay $0x1  }
0xa2: {  	v3 =	vadd.s32 v1, v3;
	_ =	sdelay $0x2  }
0xa3: {  	[tilespmem:s23], [sflag:$0x1] =	stream.indirect_vreg.gather [hbm4b:s1+s3], $0x80, v4, vm0, $0xb8;
	[tilespmem:$0x10100] =	vst v63  }
0xa4: {  	_ = 	snop  }
0xa5: {  	[tilespmem:s24], [sflag:$0x1] =	stream.indirect_vreg.gather [hbm4b:s1+s3], $0x80, v3, vm0, $0xb8;
	[tilespmem:$0x10100] =	vst v63  }
0xa6: {  	v3 =	vld [tilespmem:$0xD0];
	_ =	sdelay $0x4  }
0xa7: {  	v61 =	vshll.u32 v3, $0x1  }
0xa8: {  	v3 =	vand.u32 $0x7, v3;
	v4 =	vand.u32 $0xFFFFFFF0, v61  }
0xa9: {  	v3 =	vor.u32 v3, v4  }
0xaa: {  	v4 =	vperm.xlane v3, v0;
	_ =	sdelay $0x1  }
0xab: {  	v3 =	vperm.xlane v3, v2;
	v4 =	vadd.s32 v1, v4;
	_ =	sdelay $0x1  }
0xac: {  	v3 =	vadd.s32 v1, v3;
	_ =	sdelay $0x2  }
0xad: {  	[tilespmem:s25], [sflag:$0x1] =	stream.indirect_vreg.gather [hbm4b:s1+s3], $0x80, v4, vm0, $0xb8;
	[tilespmem:$0x10100] =	vst v63  }
0xae: {  	_ = 	snop  }
0xaf: {  	[tilespmem:s26], [sflag:$0x1] =	stream.indirect_vreg.gather [hbm4b:s1+s3], $0x80, v3, vm0, $0xb8;
	[tilespmem:$0x10100] =	vst v63  }
0xb0: {  	v3 =	vld [tilespmem:$0xE0];
	_ =	sdelay $0x4  }
0xb1: {  	v62 =	vshll.u32 v3, $0x1  }
0xb2: {  	v3 =	vand.u32 $0x7, v3;
	v4 =	vand.u32 $0xFFFFFFF0, v62  }
0xb3: {  	v3 =	vor.u32 v3, v4  }
0xb4: {  	v4 =	vperm.xlane v3, v0;
	_ =	sdelay $0x1  }
0xb5: {  	v3 =	vperm.xlane v3, v2;
	v4 =	vadd.s32 v1, v4;
	_ =	sdelay $0x1  }
0xb6: {  	v3 =	vadd.s32 v1, v3;
	_ =	sdelay $0x2  }
0xb7: {  	[tilespmem:s28], [sflag:$0x1] =	stream.indirect_vreg.gather [hbm4b:s1+s3], $0x80, v4, vm0, $0xb8;
	[tilespmem:$0x10100] =	vst v63  }
0xb8: {  	_ = 	snop  }
0xb9: {  	[tilespmem:s29], [sflag:$0x1] =	stream.indirect_vreg.gather [hbm4b:s1+s3], $0x80, v3, vm0, $0xb8;
	[tilespmem:$0x10100] =	vst v63  }
0xba: {  	v3 =	vld [tilespmem:$0xF0];
	_ =	sdelay $0x4  }
0xbb: {  	v63 =	vshll.u32 v3, $0x1  }
0xbc: {  	v3 =	vand.u32 $0x7, v3;
	v4 =	vand.u32 $0xFFFFFFF0, v63  }
0xbd: {  	v3 =	vor.u32 v3, v4  }
0xbe: {  	v4 =	vperm.xlane v3, v0;
	_ =	sdelay $0x1  }
0xbf: {  	v3 =	vperm.xlane v3, v2;
	v4 =	vadd.s32 v1, v4;
	_ =	sdelay $0x1  }
0xc0: {  	v3 =	vadd.s32 v1, v3;
	_ =	sdelay $0x2  }
0xc1: {  	[tilespmem:s30], [sflag:$0x1] =	stream.indirect_vreg.gather [hbm4b:s1+s3], $0x80, v4, vm0, $0xb8;
	[tilespmem:$0x10100] =	vst v63  }
0xc2: {  	_ = 	snop  }
0xc3: {  	[tilespmem:s31], [sflag:$0x1] =	stream.indirect_vreg.gather [hbm4b:s1+s3], $0x80, v3, vm0, $0xb8;
	[tilespmem:$0x10100] =	vst v63  }
0xc4: {  	_ =	swait.ge [sflag:s2], $0x8000  }
0xc5: {  	[sflag:s2] =	ssyncset.done $0x0  }
0xc6: {  	[sflag:s2] =	ssyncadd.s32 $0xFFFF8000  }
0xc7: {  	_ =	swait.ge [sflag:s2], $0x8000  }
0xc8: {  	p0 =	sne.s32 s5, $0x1;
	[sflag:s2] =	ssyncset.done $0x0  }
.Ltmp0:
0xc9: {  	s8 =	rddreg [dreg:$0x5];
	[sflag:s2] =	ssyncadd.s32 $0xFFFF8000;
	(pc) =	sbr.rel @p0 .LBB2_1-.Ltmp0, $4  }
0xca: {  	[hbm4b:s8+s3] =	stream.linear.scatter [tilespmem:s7], [sflag:$0x2], $0x10000, $0x38;
	[tilespmem:$0x10100] =	vst v63  }
0xcb: {  	_ =	swait.ge [sflag:s6], $0x10000  }
0xcc: {  	[sflag:s6] =	ssyncset.done $0x0  }
0xcd: {  	s5 =	sadd.s32 $0xFFFFFFFF, s5;
	[sflag:s6] =	ssyncadd.s32 $0xFFFF0000  }
0xce: {  	_ =	sfence.sel $0x180000  }
0xcf: {  	[bflag:$0x0] =	sbarrier.arrive $0xFFFF  }
0xd0: {  	_ =	strace $0x90000047  }
0xd1: {  	s0 =	stileid.u32;
	[bflag:$0x2] =	sbarrier.arrive $0xFFFF  }
0xd2: {  	p0 =	sne.s32 s0, $0x0;
	s0 =	rddreg [dreg:$0x3]  }
0xd3: {  	s0 =	sadd.s32 @!p0 $0x100000, s0  }
0xd4: {  	[sflag:s0] =	ssyncadd.tile.s32 @!p0 $0x1;
	_ =	shalt  }
.Lfunc_end2:
_tile_overlayer_lowered:
.L_overlay_start_2:
0xd5: {  	(tag) =	ssettag $0x2  }
0xd6: {  	s0 =	rddreg [dreg:$0x0];
	s2 =	stileid.u32  }
0xd7: {  	s1 =	rddreg [dreg:$0x1];
	p0 =	sne.s32 s2, $0x0  }
0xd8: {  	s3 =	rddreg [dreg:$0x2];
	[bflag:$0x3] =	sbarrier.arrive $0xFFFF;
	s2 =	simm.s32 @!p0 $0x1C02  }
0xd9: {  	[timem:s3], [sflag:s2] =	dma.local @!p0 [hbm:s0], s1  }
0xda: {  	s0 =	simm.s32 @!p0 $0x2  }
0xdb: {  	_ =	swait.ge @!p0 [sflag:s0], s1  }
0xdc: {  	s1 =	ssub.s32 @!p0 $0x0, s1;
	[sflag:s0] =	ssyncset.done @!p0 $0x0  }
0xdd: {  	[sflag:s0] =	ssyncadd.s32 @!p0 s1  }
0xde: {  	[bflag:$0x3] =	sbarrier.arrive $0xFFFF  }
0xdf: {  	_ =	shalt  }

</sc_bundles>
